<compile_context>
chip_gen: v7x
topology: tpu7x:2x2x1
jax: 0.10.2.dev20260603
libtpu: 0.0.44.dev20260713+nightly
codegen_flags: <defaults>
</compile_context>

<pallas_src>
import functools

import jax
import jax.numpy as jnp
from jax import lax
from jax.experimental import pallas as pl
from jax.experimental.pallas import tpu as pltpu
from jax.experimental.pallas import tpu_sc as plsc

N = 100000
D = 512
K = 5000
BR = 2000
KP = 5120
BS = 1000

_INFO = plsc.get_sparse_core_info()
_NW = _INFO.num_cores * _INFO.num_subcores
_BPW = KP // _NW


def _score_kernel(a_ref, w_ref, o_ref):
    w = w_ref[...]
    norm = jnp.maximum(jnp.sqrt(jnp.sum(w * w)), 1e-6)
    s = jnp.dot(a_ref[...], w, preferred_element_type=jnp.float32)
    o_ref[...] = s / norm


def _sc_gather(table_hbm, idx_hbm, out_hbm, idx_v, rows_v, sem):
    wid = lax.axis_index("s") * _INFO.num_cores + lax.axis_index("c")
    base = wid * _BPW
    pltpu.sync_copy(idx_hbm.at[pl.ds(base, _BPW)], idx_v)
    pltpu.async_copy(table_hbm.at[idx_v], rows_v, sem).wait()
    pltpu.sync_copy(rows_v, out_hbm.at[pl.ds(base, _BPW)])


_gather_call = pl.kernel(
    _sc_gather,
    mesh=plsc.VectorSubcoreMesh(core_axis_name="c", subcore_axis_name="s"),
    out_type=jax.ShapeDtypeStruct((KP, D), jnp.float32),
    scratch_types=[
        pltpu.VMEM((_BPW,), jnp.int32),
        pltpu.VMEM((_BPW, D), jnp.float32),
        pltpu.SemaphoreType.DMA,
    ],
)


def _scale_kernel(val_ref, g_ref, o_ref):
    o_ref[...] = g_ref[...] * jnp.tanh(val_ref[0])


def kernel(node_embs, scorer):
    scores = pl.pallas_call(
        _score_kernel,
        grid=(N // BR,),
        in_specs=[
            pl.BlockSpec((BR, D), lambda i: (i, 0)),
            pl.BlockSpec((D, 1), lambda i: (0, 0)),
        ],
        out_specs=pl.BlockSpec((BR, 1), lambda i: (i, 0)),
        out_shape=jax.ShapeDtypeStruct((N, 1), jnp.float32),
    )(node_embs, scorer).reshape(-1)

    vals, idx = jax.lax.top_k(scores, K)

    idx_p = jnp.concatenate([idx, jnp.zeros((KP - K,), jnp.int32)])
    gathered = _gather_call(node_embs, idx_p)

    scaled = pl.pallas_call(
        _scale_kernel,
        grid=(K // BS,),
        in_specs=[
            pl.BlockSpec((1, BS, 1), lambda i: (i, 0, 0)),
            pl.BlockSpec((BS, D), lambda i: (i, 0)),
        ],
        out_specs=pl.BlockSpec((BS, D), lambda i: (i, 0)),
        out_shape=jax.ShapeDtypeStruct((K, D), jnp.float32),
    )(vals.reshape(K // BS, BS, 1), gathered)

    return scaled.T

# --- scband reference (transcript-rebuilt; emitter-appended) ---
"""Pipeline reference for scband-top-k-21303037788693 (READ-ONLY COPY).

The authoritative reference and input builder live on the scoring server;
editing this copy changes nothing except your own understanding.
"""

import jax, jax.numpy as jnp
import numpy as np

K = 5000

def setup_inputs(seed: int = 0) -> dict:
    key = jax.random.key(seed)
    k1, k2 = jax.random.split(key)
    node_embs = jax.random.normal(k1, (100000, 512), dtype=jnp.float32)
    limit = float(np.sqrt(6.0 / (512 + 1)))  # xavier_uniform for [512, 1]
    scorer = jax.random.uniform(k2, (512, 1), dtype=jnp.float32, minval=-limit, maxval=limit)
    return {"node_embs": node_embs, "scorer": scorer}

def reference(node_embs, scorer):
    norm = jnp.clip(jnp.linalg.norm(scorer), 1e-06, None)
    scores = node_embs @ scorer / norm  # [N, 1]
    flat = scores.reshape(-1)
    vals, topk_indices = jax.lax.top_k(flat, K)
    gathered = jnp.take(node_embs, topk_indices, axis=0)  # [K, feats]
    gate = jnp.tanh(jnp.take(flat, topk_indices).reshape(-1, 1))
    out = gathered * gate
    return out.T  # [feats, K]

if __name__ == "__main__":
    import jax
    _d = setup_inputs()
    print(jax.jit(kernel)(*tuple(_d.values())))

</pallas_src>

<mosaic_0001>
#map = affine_map<(d0, d1) -> (0, 0)>
#map1 = affine_map<(d0, d1) -> (0)>
module attributes {stable_mosaic.version = 14 : i64} {
  func.func @_sc_gather(%arg0: i32, %arg1: i32, %arg2: memref<100000x512xf32, #tpu.memory_space<hbm>>, %arg3: memref<5120xi32, #tpu.memory_space<hbm>>, %arg4: memref<5120x512xf32, #tpu.memory_space<hbm>>, %arg5: memref<160xi32, #tpu.memory_space<vmem>>, %arg6: memref<160x512xf32, #tpu.memory_space<vmem>>, %arg7: memref<!tpu.dma_semaphore, #tpu.memory_space<semaphore_mem>>) attributes {dimension_semantics = [#tpu.dimension_semantics<core_parallel>, #tpu.dimension_semantics<subcore_parallel>], iteration_bounds = array<i64: 2, 16>, scalar_prefetch = 0 : i64, scratch_operands = 3 : i64, tpu.core_type = #tpu.core_type<sc_vector_subcore>, window_params = [{transform_indices = #map}, {transform_indices = #map1}, {transform_indices = #map}]} {
    %mul3A = arith.constant 2 : i32
    %mul3A_0 = arith.muli %arg1, %mul3A : i32
    %add3A = arith.addi %mul3A_0, %arg0 : i32
    %mul3A_1 = arith.constant 160 : i32
    %mul3A_2 = arith.muli %add3A, %mul3A_1 : i32
    "tpu.region"() ({
      %run_scoped3A = tpu.sem_alloc : memref<!tpu.dma_semaphore, #tpu.memory_space<semaphore_mem>>
      %dma_start3A_7 = tpu.memref_slice %arg3[%mul3A_2] : memref<5120xi32, #tpu.memory_space<hbm>> -> memref<160xi32, #tpu.memory_space<hbm>>
      %dma_start3A_8 = tpu.memref_slice %arg3[%mul3A_2] : memref<5120xi32, #tpu.memory_space<hbm>> -> memref<160xi32, #tpu.memory_space<hbm>>
      tpu.enqueue_dma source(%dma_start3A_8 : memref<160xi32, #tpu.memory_space<hbm>>) target(%arg5 : memref<160xi32, #tpu.memory_space<vmem>>) target_semaphore(%run_scoped3A : memref<!tpu.dma_semaphore, #tpu.memory_space<semaphore_mem>>)
      %dma_wait3A_9 = tpu.memref_slice %arg3[%mul3A_2] : memref<5120xi32, #tpu.memory_space<hbm>> -> memref<160xi32, #tpu.memory_space<hbm>>
      %dma_wait3A_10 = tpu.memref_slice %arg3[%mul3A_2] : memref<5120xi32, #tpu.memory_space<hbm>> -> memref<160xi32, #tpu.memory_space<hbm>>
      tpu.wait_dma2 semaphore(%run_scoped3A : memref<!tpu.dma_semaphore, #tpu.memory_space<semaphore_mem>>) src(%dma_wait3A_10 : memref<160xi32, #tpu.memory_space<hbm>>) dst(%arg5 : memref<160xi32, #tpu.memory_space<vmem>>)
      tpu.yield
    }) : () -> ()
    %dma_start3A = arith.constant 0 : i32
    %dma_start3A_3 = arith.constant 0 : i32
    %dma_start3A_4 = tpu.memref_slice %arg2[%dma_start3A, %dma_start3A_3] : memref<100000x512xf32, #tpu.memory_space<hbm>> -> memref<100000x512xf32, #tpu.memory_space<hbm>>
    tpu.enqueue_indirect_dma source(%dma_start3A_4 : memref<100000x512xf32, #tpu.memory_space<hbm>>) target(%arg6 : memref<160x512xf32, #tpu.memory_space<vmem>>) offsets(%arg5 : memref<160xi32, #tpu.memory_space<vmem>>) semaphore(%arg7 : memref<!tpu.dma_semaphore, #tpu.memory_space<semaphore_mem>>)
    %dma_wait3A = arith.constant 0 : i32
    %dma_wait3A_5 = arith.constant 0 : i32
    %dma_wait3A_6 = tpu.memref_slice %arg2[%dma_wait3A, %dma_wait3A_5] : memref<100000x512xf32, #tpu.memory_space<hbm>> -> memref<100000x512xf32, #tpu.memory_space<hbm>>
    tpu.wait_indirect_dma semaphore(%arg7 : memref<!tpu.dma_semaphore, #tpu.memory_space<semaphore_mem>>) src(%dma_wait3A_6 : memref<100000x512xf32, #tpu.memory_space<hbm>>) dst(%arg6 : memref<160x512xf32, #tpu.memory_space<vmem>>)
    "tpu.region"() ({
      %run_scoped3A = tpu.sem_alloc : memref<!tpu.dma_semaphore, #tpu.memory_space<semaphore_mem>>
      %dma_start3A_7 = arith.constant 0 : i32
      %dma_start3A_8 = tpu.memref_slice %arg4[%mul3A_2, %dma_start3A_7] : memref<5120x512xf32, #tpu.memory_space<hbm>> -> memref<160x512xf32, #tpu.memory_space<hbm>>
      %dma_start3A_9 = arith.constant 0 : i32
      %dma_start3A_10 = tpu.memref_slice %arg4[%mul3A_2, %dma_start3A_9] : memref<5120x512xf32, #tpu.memory_space<hbm>> -> memref<160x512xf32, #tpu.memory_space<hbm>>
      tpu.enqueue_dma source(%arg6 : memref<160x512xf32, #tpu.memory_space<vmem>>) target(%dma_start3A_10 : memref<160x512xf32, #tpu.memory_space<hbm>>) target_semaphore(%run_scoped3A : memref<!tpu.dma_semaphore, #tpu.memory_space<semaphore_mem>>)
      %dma_wait3A_11 = arith.constant 0 : i32
      %dma_wait3A_12 = tpu.memref_slice %arg4[%mul3A_2, %dma_wait3A_11] : memref<5120x512xf32, #tpu.memory_space<hbm>> -> memref<160x512xf32, #tpu.memory_space<hbm>>
      %dma_wait3A_13 = arith.constant 0 : i32
      %dma_wait3A_14 = tpu.memref_slice %arg4[%mul3A_2, %dma_wait3A_13] : memref<5120x512xf32, #tpu.memory_space<hbm>> -> memref<160x512xf32, #tpu.memory_space<hbm>>
      tpu.wait_dma2 semaphore(%run_scoped3A : memref<!tpu.dma_semaphore, #tpu.memory_space<semaphore_mem>>) src(%arg6 : memref<160x512xf32, #tpu.memory_space<vmem>>) dst(%dma_wait3A_14 : memref<160x512xf32, #tpu.memory_space<hbm>>)
      tpu.yield
    }) : () -> ()
    return
  }
}

module attributes {stable_mosaic.version = 14 : i64} {
  func.func @_score_kernel(%arg0: i32, %arg1: memref<2000x512xf32, #tpu.memory_space<vmem>>, %arg2: memref<512x1xf32, #tpu.memory_space<vmem>>, %arg3: memref<2000x1xf32, #tpu.memory_space<vmem>>) attributes {dimension_semantics = [#tpu.dimension_semantics<arbitrary>], iteration_bounds = array<i64: 50>, scalar_prefetch = 0 : i64, scratch_operands = 0 : i64, tpu.core_type = #tpu.core_type<tc>, window_params = [{transform_indices = @transform_0, window_bounds = array<i64: 2000, 512>}, {pipeline_mode = #tpu.pipeline_mode<synchronous>, transform_indices = @transform_1, window_bounds = array<i64: 512, 1>}, {transform_indices = @transform_2, window_bounds = array<i64: 2000, 1>}]} {
    %get3A = arith.constant 0 : index
    %get3A_0 = arith.constant 0 : index
    %get3A_1 = vector.load %arg2[%get3A, %get3A_0] : memref<512x1xf32, #tpu.memory_space<vmem>>, vector<512x1xf32>
    %mul3A = arith.mulf %get3A_1, %get3A_1 : vector<512x1xf32>
    %reduce_sum3A = vector.shape_cast %mul3A : vector<512x1xf32> to vector<1x512x1xf32>
    %reduce_sum3A_2 = arith.constant dense<0.000000e+00> : vector<1xf32>
    %reduce_sum3A_3 = vector.multi_reduction <add>, %reduce_sum3A, %reduce_sum3A_2 [1, 2] : vector<1x512x1xf32> to vector<1xf32>
    %reduce_sum3A_4 = vector.shape_cast %reduce_sum3A_3 : vector<1xf32> to vector<1x1x1xf32>
    %reduce_sum3A_5 = vector.extract %reduce_sum3A_4[0, 0, 0] : f32 from vector<1x1x1xf32>
    %sqrt3A = math.sqrt %reduce_sum3A_5 : f32
    %max3A = arith.constant 9.99999997E-7 : f32
    %max3A_6 = arith.maximumf %sqrt3A, %max3A : f32
    %get3A_7 = arith.constant 0 : index
    %get3A_8 = arith.constant 0 : index
    %get3A_9 = vector.load %arg1[%get3A_7, %get3A_8] : memref<2000x512xf32, #tpu.memory_space<vmem>>, vector<2000x512xf32>
    %dot_general3A = arith.constant dense<0.000000e+00> : vector<2000x1xf32>
    %dot_general3A_10 = tpu.matmul %get3A_9, %get3A_1, %dot_general3A {dimension_numbers = #tpu.dot_dimension_numbers<[1], [0], [0], [1], [0, 0, 1, 1], [], []>, transpose_lhs_hint = false} : vector<2000x512xf32>, vector<512x1xf32>, vector<2000x1xf32> -> vector<2000x1xf32>
    %div3A = vector.broadcast %max3A_6 : f32 to vector<2000x1xf32>
    %div3A_11 = arith.divf %dot_general3A_10, %div3A : vector<2000x1xf32>
    %swap3A = arith.constant 0 : index
    %swap3A_12 = arith.constant 0 : index
    %swap3A_13 = vector.load %arg3[%swap3A, %swap3A_12] : memref<2000x1xf32, #tpu.memory_space<vmem>>, vector<2000x1xf32>
    tpu.vector_store %arg3[%swap3A, %swap3A_12], %div3A_11 {strides = array<i32>} : memref<2000x1xf32, #tpu.memory_space<vmem>>, vector<2000x1xf32>,
    return
  }
  func.func @transform_0(%arg0: i32) -> (i32, i32) {
    %c0_i32 = arith.constant 0 : i32
    %c0_i32_0 = arith.constant 0 : i32
    return %arg0, %c0_i32 : i32, i32
  }
  func.func @transform_1(%arg0: i32) -> (i32, i32) {
    %c0_i32 = arith.constant 0 : i32
    %c0_i32_0 = arith.constant 0 : i32
    %c0_i32_1 = arith.constant 0 : i32
    return %c0_i32, %c0_i32_0 : i32, i32
  }
  func.func @transform_2(%arg0: i32) -> (i32, i32) {
    %c0_i32 = arith.constant 0 : i32
    %c0_i32_0 = arith.constant 0 : i32
    return %arg0, %c0_i32 : i32, i32
  }
}

module attributes {stable_mosaic.version = 14 : i64} {
  func.func @_scale_kernel(%arg0: i32, %arg1: memref<1x1000x1xf32, #tpu.memory_space<vmem>>, %arg2: memref<1000x512xf32, #tpu.memory_space<vmem>>, %arg3: memref<1000x512xf32, #tpu.memory_space<vmem>>) attributes {dimension_semantics = [#tpu.dimension_semantics<arbitrary>], iteration_bounds = array<i64: 5>, scalar_prefetch = 0 : i64, scratch_operands = 0 : i64, tpu.core_type = #tpu.core_type<tc>, window_params = [{transform_indices = @transform_0, window_bounds = array<i64: 1, 1000, 1>}, {transform_indices = @transform_1, window_bounds = array<i64: 1000, 512>}, {transform_indices = @transform_2, window_bounds = array<i64: 1000, 512>}]} {
    %get3A = arith.constant 0 : index
    %get3A_0 = arith.constant 0 : index
    %get3A_1 = vector.load %arg2[%get3A, %get3A_0] : memref<1000x512xf32, #tpu.memory_space<vmem>>, vector<1000x512xf32>
    %get3A_2 = arith.constant 0 : index
    %get3A_3 = arith.constant 0 : index
    %get3A_4 = arith.constant 0 : index
    %get3A_5 = vector.load %arg1[%get3A_2, %get3A_3, %get3A_4] : memref<1x1000x1xf32, #tpu.memory_space<vmem>>, vector<1x1000x1xf32>
    %get3A_6 = vector.shape_cast %get3A_5 : vector<1x1000x1xf32> to vector<1000x1xf32>
    %tanh3A = math.tanh %get3A_6 : vector<1000x1xf32>
    %mul3A = vector.broadcast %tanh3A : vector<1000x1xf32> to vector<1000x512xf32>
    %mul3A_7 = arith.mulf %get3A_1, %mul3A : vector<1000x512xf32>
    %swap3A = arith.constant 0 : index
    %swap3A_8 = arith.constant 0 : index
    %swap3A_9 = vector.load %arg3[%swap3A, %swap3A_8] : memref<1000x512xf32, #tpu.memory_space<vmem>>, vector<1000x512xf32>
    tpu.vector_store %arg3[%swap3A, %swap3A_8], %mul3A_7 {strides = array<i32>} : memref<1000x512xf32, #tpu.memory_space<vmem>>, vector<1000x512xf32>,
    return
  }
  func.func @transform_0(%arg0: i32) -> (i32, i32, i32) {
    %c0_i32 = arith.constant 0 : i32
    %c0_i32_0 = arith.constant 0 : i32
    %c0_i32_1 = arith.constant 0 : i32
    return %arg0, %c0_i32, %c0_i32_0 : i32, i32, i32
  }
  func.func @transform_1(%arg0: i32) -> (i32, i32) {
    %c0_i32 = arith.constant 0 : i32
    %c0_i32_0 = arith.constant 0 : i32
    return %arg0, %c0_i32 : i32, i32
  }
  func.func @transform_2(%arg0: i32) -> (i32, i32) {
    %c0_i32 = arith.constant 0 : i32
    %c0_i32_0 = arith.constant 0 : i32
    return %arg0, %c0_i32 : i32, i32
  }
}

</mosaic_0001>

<sc_bundles>
// kernel: kernel.5.cloned.1.call-start
scs
__scs_entry_jumppad:
0x0: {  	(pc) =	sbr.rel $0x88, $3  }
0x1: {  	(tag) =	ssettag $0x0;
	lr =	simm.s32 $0x1  }
0x2: {  	[smem:$0x3F9F] =	sst lr;
	_ =	strace $0xD0000000  }
0x3: {  	_ = 	snop  }
0x4: {  	_ = 	snop  }
0x5: {  	_ = 	snop  }
0x6: {  	_ = 	snop  }
0x7: {  	_ = 	snop  }
__scs_overlays_trampoline_lowered:
0x8: {  	[smem:$0x3FAE] =	sst s0  }
0x9: {  	[smem:$0x3FAF] =	sst s1  }
0xa: {  	[smem:$0x3FB0] =	sst s2  }
0xb: {  	[smem:$0x3FB1] =	sst s3  }
0xc: {  	[smem:$0x3FB2] =	sst s4  }
0xd: {  	[smem:$0x3FB3] =	sst s5  }
0xe: {  	[smem:$0x3FB4] =	sst s6  }
0xf: {  	[smem:$0x3FB5] =	sst s7  }
0x10: {  	[smem:$0x3FB6] =	sst s8  }
0x11: {  	[smem:$0x3FB7] =	sst s9;
	s0 =	simm.s32 @!p0 $0x0  }
0x12: {  	s1 =	sld [smem:$0x3F9D];
	s0 =	simm.s32 @p0 $0x1  }
0x13: {  	[smem:$0x3FB8] =	sst s0;
	s0 =	simm.s32 @!p1 $0x0  }
0x14: {  	s2 =	sld [smem:$0x3F9C];
	s0 =	simm.s32 @p1 $0x1  }
0x15: {  	[smem:$0x3FB9] =	sst s0;
	s0 =	simm.s32 @!p2 $0x0  }
0x16: {  	s3 =	sld [smem:$0x3FDB];
	s0 =	simm.s32 @p2 $0x1  }
0x17: {  	s4 =	simm.s32 $0x1BF5;
	[smem:$0x3FBB] =	sst s0  }
0x18: {  	s0 =	sld [smem:$0x3F9E];
	_ =	swait.ge [sflag:s4], $0x0  }
0x19: {  	s7 =	sld [smem:$0x3F9F]  }
0x1a: {  	s8 =	sadd.s32 $0xFFFFE003, lr  }
0x1b: {  	s9 =	sadd.s32 $0xFFFFFEF7, lr;
	s5 =	simm.s32 $0xFFFFFFFF;
	p2 =	slt.u32 s8, $0xFFFFF086  }
0x1c: {  	p1 =	slt.u32 s9, $0xF7A;
	s5 =	simm.s32 @!p2 $0x0  }
0x1d: {  	s5 =	simm.s32 @p1 $0x1;
	p0 =	seq.s32 s7, s2  }
0x1e: {  	s7 =	smul.u32 @!p0 $0xF7A, s2;
	p2 =	seq.s32 @!p0 s5, $0x0  }
0x1f: {  	s9 =	smul.u32 $0xF7A, s1;
	s8 =	simm.s32 @!p0 $0x1BF5;
	p2 =	por !p2, p0  }
0x20: {  	[sflag:s8] =	ssyncset.s32 @!p0 $0xFFFFF086;
	s6 =	sadd.s32 @!p0 s3, s7;
	s7 =	simm.s32 @!p0 $0x108  }
0x21: {  	s3 =	sadd.s32 s3, s9;
	s6 =	sadd.s32 @!p0 $0x88, s6;
	s7 =	simm.s32 @p2 $0x1082  }
0x22: {  	[simem:s7], [sflag:s8] =	dma.local @!p0 [hbm:s6], $0xF7A  }
0x23: {  	s9 =	sor.u32 $0xD0000000, s2;
	s6 =	simm.s32 $0x108;
	_ =	swait.ge @!p0 [sflag:s8], $0x0  }
0x24: {  	s3 =	sadd.s32 $0x88, s3;
	s6 =	simm.s32 @!p1 $0x1082;
	[sflag:s4] =	ssyncset.s32 $0xFFFFF086  }
0x25: {  	[simem:s6], [sflag:s4] =	dma.local [hbm:s3], $0xF7A  }
0x26: {  	[smem:$0x3F9F] =	sst s1;
	(tag) =	ssettag s2;
	_ =	strace s9  }
0x27: {  	s1 =	sld [smem:$0x3FAF]  }
0x28: {  	s2 =	sld [smem:$0x3FB0]  }
0x29: {  	s4 =	sld [smem:$0x3FB2]  }
0x2a: {  	p0 =	seq.s32 s5, $0x0;
	s5 =	sld [smem:$0x3FB3]  }
0x2b: {  	s6 =	sld [smem:$0x3FB4]  }
0x2c: {  	s7 =	sld [smem:$0x3FB5]  }
0x2d: {  	s3 =	simm.s32 $0x108;
	s8 =	sld [smem:$0x3FB6]  }
0x2e: {  	s3 =	simm.s32 @!p0 $0x1082;
	s9 =	sld [smem:$0x3FB7]  }
0x2f: {  	lr =	sadd.s32 s0, s3;
	s0 =	sld [smem:$0x3FAE]  }
0x30: {  	s3 =	sld [smem:$0x3FB1]  }
0x31: {  	[smem:$0x3FBA] =	sst s10  }
0x32: {  	s10 =	sld [smem:$0x3FB8];
	_ =	sdelay $0x3  }
0x33: {  	p0 =	seq.s32 s10, $0x1;
	s10 =	sld [smem:$0x3FBA];
	_ =	sdelay $0x3  }
0x34: {  	[smem:$0x3FBA] =	sst s10  }
0x35: {  	s10 =	sld [smem:$0x3FB9];
	_ =	sdelay $0x3  }
0x36: {  	p1 =	seq.s32 s10, $0x1;
	s10 =	sld [smem:$0x3FBA];
	_ =	sdelay $0x3  }
0x37: {  	[smem:$0x3FBA] =	sst s10  }
0x38: {  	s10 =	sld [smem:$0x3FBB]  }
0x39: {  	_ = 	snop;
	(pc) =	sbr.ind lr, $3  }
0x3a: {  	_ = 	snop  }
0x3b: {  	_ = 	snop  }
0x3c: {  	p2 =	seq.s32 s10, $0x1;
	s10 =	sld [smem:$0x3FBA]  }
0x3d: {  	_ =	shalt  }
0x3e: {  	_ =	shalt  }
0x3f: {  	_ =	shalt  }
0x40: {  	_ =	shalt  }
0x41: {  	_ =	shalt  }
0x42: {  	_ =	shalt  }
0x43: {  	_ =	shalt  }
0x44: {  	_ =	shalt  }
0x45: {  	_ =	shalt  }
0x46: {  	_ =	shalt  }
0x47: {  	_ =	shalt  }
0x48: {  	_ =	shalt  }
0x49: {  	_ =	shalt  }
0x4a: {  	_ =	shalt  }
0x4b: {  	_ =	shalt  }
0x4c: {  	_ =	shalt  }
0x4d: {  	_ =	shalt  }
0x4e: {  	_ =	shalt  }
0x4f: {  	_ =	shalt  }
0x50: {  	_ =	shalt  }
0x51: {  	_ =	shalt  }
0x52: {  	_ =	shalt  }
0x53: {  	_ =	shalt  }
0x54: {  	_ =	shalt  }
0x55: {  	_ =	shalt  }
0x56: {  	_ =	shalt  }
0x57: {  	_ =	shalt  }
0x58: {  	_ =	shalt  }
0x59: {  	_ =	shalt  }
0x5a: {  	_ =	shalt  }
0x5b: {  	_ =	shalt  }
0x5c: {  	_ =	shalt  }
0x5d: {  	_ =	shalt  }
0x5e: {  	_ =	shalt  }
0x5f: {  	_ =	shalt  }
0x60: {  	_ =	shalt  }
0x61: {  	_ =	shalt  }
0x62: {  	_ =	shalt  }
0x63: {  	_ =	shalt  }
0x64: {  	_ =	shalt  }
0x65: {  	_ =	shalt  }
0x66: {  	_ =	shalt  }
0x67: {  	_ =	shalt  }
0x68: {  	_ =	shalt  }
0x69: {  	_ =	shalt  }
0x6a: {  	_ =	shalt  }
0x6b: {  	_ =	shalt  }
0x6c: {  	_ =	shalt  }
0x6d: {  	_ =	shalt  }
0x6e: {  	_ =	shalt  }
0x6f: {  	_ =	shalt  }
0x70: {  	_ =	shalt  }
0x71: {  	_ =	shalt  }
0x72: {  	_ =	shalt  }
0x73: {  	_ =	shalt  }
0x74: {  	_ =	shalt  }
0x75: {  	_ =	shalt  }
0x76: {  	_ =	shalt  }
0x77: {  	_ =	shalt  }
0x78: {  	_ =	shalt  }
0x79: {  	_ =	shalt  }
0x7a: {  	_ =	shalt  }
0x7b: {  	_ =	shalt  }
0x7c: {  	_ =	shalt  }
0x7d: {  	_ =	shalt  }
0x7e: {  	_ =	shalt  }
0x7f: {  	_ =	shalt  }
0x80: {  	_ =	shalt  }
0x81: {  	_ =	shalt  }
0x82: {  	_ =	shalt  }
0x83: {  	_ =	shalt  }
0x84: {  	_ =	shalt  }
0x85: {  	_ =	shalt  }
0x86: {  	_ =	shalt  }
0x87: {  	_ =	shalt  }
.Lfunc_end0:
.L_simem_size_0:
called_computation_lowered:
.L_overlay_start_0:
0x88: {  	s2 =	sld [smem:$0x3FD9]  }
0x89: {  	s3 =	sld [smem:$0x3FFE];
	_ =	sdelay $0x1  }
0x8a: {  	s1 =	srdreg.scid  }
0x8b: {  	s0 =	sand.u32 $0x1, s1  }
0x8c: {  	s17 =	sshll.u32 s0, $0xA;
	s2 =	sadd.s32 s3, s2  }
0x8d: {  	s2 =	sadd.s32 s2, s17  }
0x8e: {  	[smem:$0x3FC6] =	sst s2  }
0x8f: {  	_ = 	snop  }
0x90: {  	s2 =	sld [smem:$0x3FC9];
	(tm) =	ssettm $0x1  }
0x91: {  	s18 =	sld [smem:$0x3FFB];
	_ =	sdelay $0x3  }
0x92: {  	_ =	strace s18  }
0x93: {  	s3 =	sld [smem:$0x3FFC];
	_ =	sdelay $0x3  }
0x94: {  	_ =	strace s3  }
0x95: {  	s3 =	sld [smem:$0x3FFD];
	_ =	sdelay $0x3  }
0x96: {  	_ =	strace s3  }
0x97: {  	_ =	strace $0x8FFFFFFF  }
0x98: {  	s19 =	sld [smem:$0x3FDB];
	_ =	sdelay $0x1  }
0x99: {  	s4 =	simm.s32 $_scs_section_size  }
0x9a: {  	s5 =	simm.s32 $_size__tile_overlayer_lowered;
	s6 =	simm.s32 $_tile_overlayer_lowered  }
0x9b: {  	s22 =	simm.s32 $0x1BFF;
	s21 =	sshll.u32 s6, $0x1;
	s3 =	sadd.s32 s4, s19  }
0x9c: {  	s7 =	simm.s32 $0x0;
	s20 =	sshll.u32 s5, $0x1;
	s5 =	sadd.s32 s21, s3  }
0x9d: {  	[timem:s7], [sflag:s22] =	dma.local [hbm:s5], s20  }
0x9e: {  	_ =	swait.ge [sflag:s22], s20  }
0x9f: {  	s4 =	ssub.s32 $0x0, s20;
	[sflag:s22] =	ssyncset.done $0x0  }
0xa0: {  	[sflag:s22] =	ssyncadd.s32 s4;
	_ =	sdelay $0x1  }
0xa1: {  	s23 =	simm.s32 $0x1B8B  }
0xa2: {  	_ =	swait.ge [sflag:s23], $0x1  }
0xa3: {  	[sflag:s23] =	ssyncset.done $0x0  }
0xa4: {  	s25 =	simm.s32 $0x1B8E;
	s24 =	sld [smem:$0x3FFE];
	[sflag:s23] =	ssyncadd.s32 $0xFFFFFFFF  }
0xa5: {  	s26 =	simm.s32 $execute0_lowered;
	[smem:$0x3FD2] =	sst s25  }
0xa6: {  	s5 =	sshll.u32 s26, $0x1;
	_ =	strace $0x80000046;
	[dreg:$0x1] =	wrdreg $0xFFFFFFFF  }
0xa7: {  	s28 =	simm.s32 $_size_execute0_lowered;
	s3 =	sadd.s32 s3, s5;
	[dreg:$0x0] =	wrdreg $0x0  }
0xa8: {  	s5 =	sshll.u32 s28, $0x1;
	[dreg:$0x2] =	wrdreg s3  }
0xa9: {  	[dreg:$0x3] =	wrdreg s5  }
0xaa: {  	[dreg:$0x4] =	wrdreg $0xC0  }
0xab: {  	_ =	task [dreg:s7], $0x5FFFF  }
0xac: {  	[dreg:$0x1] =	wrdreg $0xFFFFFFFF  }
0xad: {  	[dreg:$0x0] =	wrdreg $0x60  }
0xae: {  	[dreg:$0x2] =	wrdreg s2  }
0xaf: {  	[dreg:$0x3] =	wrdreg s24  }
0xb0: {  	[dreg:$0x4] =	wrdreg $0x9  }
0xb1: {  	_ =	task.clear_ibuf [dreg:s7], $0x5FFFF;
	_ =	strace $0x90000046  }
0xb2: {  	s29 =	simm.s32 $0x9;
	_ =	strace $0x80000048  }
0xb3: {  	_ =	swait.ge [sflag:s29], $0x1  }
0xb4: {  	[sflag:s29] =	ssyncadd.s32 $0xFFFFFFFF  }
0xb5: {  	_ =	strace $0x90000048  }
0xb6: {  	_ =	sfence  }
0xb7: {  	s30 =	sld [smem:$0x0];
	_ =	sdelay $0x2  }
0xb8: {  	s31 =	sshll.u32 s1, $0xD;
	s1 =	sshrl.u32 s1, $0x2  }
0xb9: {  	s3 =	sand.u32 $0x4000, s31;
	s1 =	sadd.s32 s1, s30  }
0xba: {  	s0 =	sor.u32 s3, s0;
	s1 =	sshll.u32 s1, $0x11  }
0xbb: {  	s0 =	sor.u32 s1, s0  }
0xbc: {  	s0 =	sadd.s32 $0x8F2B, s0  }
0xbd: {  	[sflag:s0] =	ssyncadd.remote.s32 $0x1  }
0xbe: {  	_ =	sfence.sel $0xFFFF  }
0xbf: {  	[dreg:$0x0] =	wrdreg $0xFFFFFFFF;
	(pc) =	sbr.abs _section_cstart, $3  }
0xc0: {  	[dreg:$0x1] =	wrdreg $0xFFFFFFFF  }
0xc1: {  	_ =	task.clear_ibuf [dreg:s7], $0x2FFFF;
	_ =	strace $0x9FFFFFFF  }
0xc2: {  	(tm) =	ssettm $0x7FFFFFFF  }
0xc3: {  	_ =	shalt  }
tec
execute0_lowered:
.L_overlay_start_1:
0x0: {  	(tag) =	ssettag $0x1  }
0x1: {  	s1 =	srdreg.scid;
	s0 =	stileid.u32  }
0x2: {  	s2 =	rddreg [dreg:$0x0];
	s1 =	sand.u32 $0x1, s1;
	s3 =	sshll.u32 s0, $0x1  }
0x3: {  	s5 =	rddreg [dreg:$0x1];
	s4 =	sor.u32 s1, s3;
	s3 =	simm.s32 $0x0  }
0x4: {  	s10 =	simm.s32 $0x900;
	[smem:$0x7FF] =	sst s3  }
0x5: {  	s11 =	simm.s32 $0x1100;
	_ =	strace $0x80000047;
	[dreg:$0x5] =	wrdreg s10  }
0x6: {  	s12 =	simm.s32 $0x1900;
	[dreg:$0x6] =	wrdreg s11  }
0x7: {  	s13 =	simm.s32 $0x2100;
	[dreg:$0x7] =	wrdreg s12  }
0x8: {  	s14 =	simm.s32 $0x2900;
	[dreg:$0x8] =	wrdreg s13  }
0x9: {  	s15 =	simm.s32 $0x3100;
	[dreg:$0x9] =	wrdreg s14  }
0xa: {  	s16 =	simm.s32 $0x3900;
	[dreg:$0xa] =	wrdreg s15  }
0xb: {  	s17 =	simm.s32 $0x4100;
	[dreg:$0xb] =	wrdreg s16  }
0xc: {  	s18 =	simm.s32 $0x4900;
	s19 =	simm.s32 $0x5100;
	[dreg:$0xc] =	wrdreg s17  }
0xd: {  	s20 =	simm.s32 $0x5900;
	s21 =	simm.s32 $0x6100;
	[dreg:$0xd] =	wrdreg s18  }
0xe: {  	s23 =	simm.s32 $0x6900;
	s24 =	simm.s32 $0x7100;
	[dreg:$0xe] =	wrdreg s19  }
0xf: {  	s25 =	simm.s32 $0x7900;
	s26 =	simm.s32 $0x8100;
	[dreg:$0xf] =	wrdreg s20  }
0x10: {  	s7 =	simm.s32 $0x100;
	s28 =	simm.s32 $0x12100;
	[dreg:$0x10] =	wrdreg s21  }
0x11: {  	s29 =	simm.s32 $0x12900;
	s30 =	simm.s32 $0x13100;
	[dreg:$0x11] =	wrdreg s23  }
0x12: {  	s31 =	simm.s32 $0x13900;
	s1 =	ssub.s32 $0x2, s1;
	[dreg:$0x12] =	wrdreg s24  }
0x13: {  	s6 =	smul.u32 $0x2800, s4;
	s22 =	sshrl.u32 s1, $0x1;
	[dreg:$0x13] =	wrdreg s25  }
0x14: {  	s4 =	smul.u32 $0x14, s4;
	s1 =	ssub.s32 s1, s22;
	[dreg:$0x14] =	wrdreg s26  }
0x15: {  	s10 =	simm.s32 $0x9900;
	s11 =	simm.s32 $0xA100;
	s12 =	simm.s32 $0xA900  }
0x16: {  	s13 =	simm.s32 $0xB100;
	s14 =	simm.s32 $0xB900;
	s15 =	simm.s32 $0xC100  }
0x17: {  	s16 =	simm.s32 $0xC900;
	s17 =	simm.s32 $0xD100;
	s18 =	simm.s32 $0xD900  }
0x18: {  	s19 =	simm.s32 $0xE100;
	s20 =	simm.s32 $0xE900;
	s21 =	simm.s32 $0xF100  }
0x19: {  	s22 =	simm.s32 $0xF900;
	s23 =	simm.s32 $0x10100;
	s24 =	simm.s32 $0x10900  }
0x1a: {  	s25 =	simm.s32 $0x11100;
	s26 =	simm.s32 $0x11900;
	s6 =	sadd.s32 s6, s5  }
0x1b: {  	v2 =	vlaneseq.u32;
	s4 =	sadd.s32 s5, s4;
	s5 =	smax.u32 s1, $0x1;
	s1 =	simm.s32 $0x1  }
0x1c: {  	vm0 =	vmmov $0xffff;
	v1 =	vshrl.u32 v2, $0x3;
	[dreg:$0x3] =	wrdreg s4;
	s9 =	sadd.s32 $0x400, s6;
	s4 =	sadd.s32 $0x100, s2  }
0x1d: {  	v0 =	vand.u32 $0x7, v2;
	v2 =	vor.u32 $0x8, v2;
	v1 =	vmul.u32 $0x8, v1;
	s6 =	simm.s32 $0x2;
	[dreg:$0x4] =	wrdreg s9;
	s9 =	simm.s32 $0x9100  }
.LBB2_1:
0x1e: {  	s0 =	rddreg [dreg:$0x3]  }
0x1f: {  	[tilespmem:s3], [sflag:$0x2] =	stream.linear.gather [hbm4b:s0+s3], $0xA0, $0x38;
	[tilespmem:$0x14100] =	vst v63  }
0x20: {  	_ =	swait.ge [sflag:s6], $0xA0  }
0x21: {  	[sflag:s6] =	ssyncset.done $0x0  }
0x22: {  	[sflag:s6] =	ssyncadd.s32 $0xFFFFFF60  }
0x23: {  	v3 =	vld [tilespmem:$0x0];
	_ =	sdelay $0x4  }
0x24: {  	v4 =	vshll.u32 v3, $0x2  }
0x25: {  	v3 =	vand.u32 $0x7, v3;
	v4 =	vand.u32 $0xFFFFFFE0, v4  }
0x26: {  	v3 =	vor.u32 v3, v4  }
0x27: {  	v4 =	vperm.xlane v3, v0;
	_ =	sdelay $0x1  }
0x28: {  	v4 =	vadd.s32 v1, v4;
	_ =	sdelay $0x1  }
0x29: {  	v3 =	vperm.xlane v3, v2;
	_ =	sdelay $0x1  }
0x2a: {  	v3 =	vadd.s32 v1, v3  }
0x2b: {  	[tilespmem:s7], [sflag:$0x1] =	stream.indirect_vreg.gather [hbm4b:s2+s3], $0x80, v4, vm0, $0xb8;
	[tilespmem:$0x14100] =	vst v63  }
0x2c: {  	s0 =	rddreg [dreg:$0x5]  }
0x2d: {  	[tilespmem:s0], [sflag:$0x1] =	stream.indirect_vreg.gather [hbm4b:s4+s3], $0x80, v4, vm0, $0xb8;
	[tilespmem:$0x14100] =	vst v63  }
0x2e: {  	s8 =	rddreg [dreg:$0x6]  }
0x2f: {  	[tilespmem:s8], [sflag:$0x1] =	stream.indirect_vreg.gather [hbm4b:s2+s3], $0x80, v3, vm0, $0xb8;
	[tilespmem:$0x14100] =	vst v63  }
0x30: {  	s0 =	rddreg [dreg:$0x7]  }
0x31: {  	[tilespmem:s0], [sflag:$0x1] =	stream.indirect_vreg.gather [hbm4b:s4+s3], $0x80, v3, vm0, $0xb8;
	[tilespmem:$0x14100] =	vst v63  }
0x32: {  	v3 =	vld [tilespmem:$0x10];
	_ =	sdelay $0x4  }
0x33: {  	v55 =	vshll.u32 v3, $0x2  }
0x34: {  	v3 =	vand.u32 $0x7, v3;
	v4 =	vand.u32 $0xFFFFFFE0, v55  }
0x35: {  	v3 =	vor.u32 v3, v4  }
0x36: {  	v4 =	vperm.xlane v3, v0;
	_ =	sdelay $0x1  }
0x37: {  	v4 =	vadd.s32 v1, v4;
	_ =	sdelay $0x1  }
0x38: {  	v3 =	vperm.xlane v3, v2;
	_ =	sdelay $0x1  }
0x39: {  	s0 =	rddreg [dreg:$0x8];
	v3 =	vadd.s32 v1, v3  }
0x3a: {  	[tilespmem:s0], [sflag:$0x1] =	stream.indirect_vreg.gather [hbm4b:s2+s3], $0x80, v4, vm0, $0xb8;
	[tilespmem:$0x14100] =	vst v63  }
0x3b: {  	s8 =	rddreg [dreg:$0x9]  }
0x3c: {  	[tilespmem:s8], [sflag:$0x1] =	stream.indirect_vreg.gather [hbm4b:s4+s3], $0x80, v4, vm0, $0xb8;
	[tilespmem:$0x14100] =	vst v63  }
0x3d: {  	s0 =	rddreg [dreg:$0xa]  }
0x3e: {  	[tilespmem:s0], [sflag:$0x1] =	stream.indirect_vreg.gather [hbm4b:s2+s3], $0x80, v3, vm0, $0xb8;
	[tilespmem:$0x14100] =	vst v63  }
0x3f: {  	s8 =	rddreg [dreg:$0xb]  }
0x40: {  	[tilespmem:s8], [sflag:$0x1] =	stream.indirect_vreg.gather [hbm4b:s4+s3], $0x80, v3, vm0, $0xb8;
	[tilespmem:$0x14100] =	vst v63  }
0x41: {  	v3 =	vld [tilespmem:$0x20];
	_ =	sdelay $0x4  }
0x42: {  	v56 =	vshll.u32 v3, $0x2  }
0x43: {  	v3 =	vand.u32 $0x7, v3;
	v4 =	vand.u32 $0xFFFFFFE0, v56  }
0x44: {  	v3 =	vor.u32 v3, v4  }
0x45: {  	v4 =	vperm.xlane v3, v0;
	_ =	sdelay $0x1  }
0x46: {  	v4 =	vadd.s32 v1, v4;
	_ =	sdelay $0x1  }
0x47: {  	v3 =	vperm.xlane v3, v2;
	_ =	sdelay $0x1  }
0x48: {  	s0 =	rddreg [dreg:$0xc];
	v3 =	vadd.s32 v1, v3  }
0x49: {  	[tilespmem:s0], [sflag:$0x1] =	stream.indirect_vreg.gather [hbm4b:s2+s3], $0x80, v4, vm0, $0xb8;
	[tilespmem:$0x14100] =	vst v63  }
0x4a: {  	s8 =	rddreg [dreg:$0xd]  }
0x4b: {  	[tilespmem:s8], [sflag:$0x1] =	stream.indirect_vreg.gather [hbm4b:s4+s3], $0x80, v4, vm0, $0xb8;
	[tilespmem:$0x14100] =	vst v63  }
0x4c: {  	s0 =	rddreg [dreg:$0xe]  }
0x4d: {  	[tilespmem:s0], [sflag:$0x1] =	stream.indirect_vreg.gather [hbm4b:s2+s3], $0x80, v3, vm0, $0xb8;
	[tilespmem:$0x14100] =	vst v63  }
0x4e: {  	s8 =	rddreg [dreg:$0xf]  }
0x4f: {  	[tilespmem:s8], [sflag:$0x1] =	stream.indirect_vreg.gather [hbm4b:s4+s3], $0x80, v3, vm0, $0xb8;
	[tilespmem:$0x14100] =	vst v63  }
0x50: {  	v3 =	vld [tilespmem:$0x30];
	_ =	sdelay $0x4  }
0x51: {  	v57 =	vshll.u32 v3, $0x2  }
0x52: {  	v3 =	vand.u32 $0x7, v3;
	v4 =	vand.u32 $0xFFFFFFE0, v57  }
0x53: {  	v3 =	vor.u32 v3, v4  }
0x54: {  	v4 =	vperm.xlane v3, v0;
	_ =	sdelay $0x1  }
0x55: {  	v4 =	vadd.s32 v1, v4;
	_ =	sdelay $0x1  }
0x56: {  	v3 =	vperm.xlane v3, v2;
	_ =	sdelay $0x1  }
0x57: {  	s0 =	rddreg [dreg:$0x10];
	v3 =	vadd.s32 v1, v3  }
0x58: {  	[tilespmem:s0], [sflag:$0x1] =	stream.indirect_vreg.gather [hbm4b:s2+s3], $0x80, v4, vm0, $0xb8;
	[tilespmem:$0x14100] =	vst v63  }
0x59: {  	s8 =	rddreg [dreg:$0x11]  }
0x5a: {  	[tilespmem:s8], [sflag:$0x1] =	stream.indirect_vreg.gather [hbm4b:s4+s3], $0x80, v4, vm0, $0xb8;
	[tilespmem:$0x14100] =	vst v63  }
0x5b: {  	s0 =	rddreg [dreg:$0x12]  }
0x5c: {  	[tilespmem:s0], [sflag:$0x1] =	stream.indirect_vreg.gather [hbm4b:s2+s3], $0x80, v3, vm0, $0xb8;
	[tilespmem:$0x14100] =	vst v63  }
0x5d: {  	s8 =	rddreg [dreg:$0x13]  }
0x5e: {  	[tilespmem:s8], [sflag:$0x1] =	stream.indirect_vreg.gather [hbm4b:s4+s3], $0x80, v3, vm0, $0xb8;
	[tilespmem:$0x14100] =	vst v63  }
0x5f: {  	v3 =	vld [tilespmem:$0x40];
	_ =	sdelay $0x4  }
0x60: {  	v58 =	vshll.u32 v3, $0x2  }
0x61: {  	v3 =	vand.u32 $0x7, v3;
	v4 =	vand.u32 $0xFFFFFFE0, v58  }
0x62: {  	v3 =	vor.u32 v3, v4  }
0x63: {  	v4 =	vperm.xlane v3, v0;
	_ =	sdelay $0x1  }
0x64: {  	v4 =	vadd.s32 v1, v4;
	_ =	sdelay $0x1  }
0x65: {  	v3 =	vperm.xlane v3, v2;
	_ =	sdelay $0x1  }
0x66: {  	s8 =	rddreg [dreg:$0x14];
	v3 =	vadd.s32 v1, v3  }
0x67: {  	[tilespmem:s8], [sflag:$0x1] =	stream.indirect_vreg.gather [hbm4b:s2+s3], $0x80, v4, vm0, $0xb8;
	[tilespmem:$0x14100] =	vst v63  }
0x68: {  	s8 =	simm.s32 $0x8900  }
0x69: {  	[tilespmem:s8], [sflag:$0x1] =	stream.indirect_vreg.gather [hbm4b:s4+s3], $0x80, v4, vm0, $0xb8;
	[tilespmem:$0x14100] =	vst v63  }
0x6a: {  	_ = 	snop  }
0x6b: {  	[tilespmem:s9], [sflag:$0x1] =	stream.indirect_vreg.gather [hbm4b:s2+s3], $0x80, v3, vm0, $0xb8;
	[tilespmem:$0x14100] =	vst v63  }
0x6c: {  	_ = 	snop  }
0x6d: {  	[tilespmem:s10], [sflag:$0x1] =	stream.indirect_vreg.gather [hbm4b:s4+s3], $0x80, v3, vm0, $0xb8;
	[tilespmem:$0x14100] =	vst v63  }
0x6e: {  	v3 =	vld [tilespmem:$0x50];
	_ =	sdelay $0x4  }
0x6f: {  	v59 =	vshll.u32 v3, $0x2  }
0x70: {  	v3 =	vand.u32 $0x7, v3;
	v4 =	vand.u32 $0xFFFFFFE0, v59  }
0x71: {  	v3 =	vor.u32 v3, v4  }
0x72: {  	v4 =	vperm.xlane v3, v0;
	_ =	sdelay $0x1  }
0x73: {  	v4 =	vadd.s32 v1, v4;
	_ =	sdelay $0x1  }
0x74: {  	v3 =	vperm.xlane v3, v2;
	_ =	sdelay $0x1  }
0x75: {  	v3 =	vadd.s32 v1, v3  }
0x76: {  	[tilespmem:s11], [sflag:$0x1] =	stream.indirect_vreg.gather [hbm4b:s2+s3], $0x80, v4, vm0, $0xb8;
	[tilespmem:$0x14100] =	vst v63  }
0x77: {  	_ = 	snop  }
0x78: {  	[tilespmem:s12], [sflag:$0x1] =	stream.indirect_vreg.gather [hbm4b:s4+s3], $0x80, v4, vm0, $0xb8;
	[tilespmem:$0x14100] =	vst v63  }
0x79: {  	_ = 	snop  }
0x7a: {  	[tilespmem:s13], [sflag:$0x1] =	stream.indirect_vreg.gather [hbm4b:s2+s3], $0x80, v3, vm0, $0xb8;
	[tilespmem:$0x14100] =	vst v63  }
0x7b: {  	_ = 	snop  }
0x7c: {  	[tilespmem:s14], [sflag:$0x1] =	stream.indirect_vreg.gather [hbm4b:s4+s3], $0x80, v3, vm0, $0xb8;
	[tilespmem:$0x14100] =	vst v63  }
0x7d: {  	v3 =	vld [tilespmem:$0x60];
	_ =	sdelay $0x4  }
0x7e: {  	v60 =	vshll.u32 v3, $0x2  }
0x7f: {  	v3 =	vand.u32 $0x7, v3;
	v4 =	vand.u32 $0xFFFFFFE0, v60  }
0x80: {  	v3 =	vor.u32 v3, v4  }
0x81: {  	v4 =	vperm.xlane v3, v0;
	_ =	sdelay $0x1  }
0x82: {  	v4 =	vadd.s32 v1, v4;
	_ =	sdelay $0x1  }
0x83: {  	v3 =	vperm.xlane v3, v2;
	_ =	sdelay $0x1  }
0x84: {  	v3 =	vadd.s32 v1, v3  }
0x85: {  	[tilespmem:s15], [sflag:$0x1] =	stream.indirect_vreg.gather [hbm4b:s2+s3], $0x80, v4, vm0, $0xb8;
	[tilespmem:$0x14100] =	vst v63  }
0x86: {  	_ = 	snop  }
0x87: {  	[tilespmem:s16], [sflag:$0x1] =	stream.indirect_vreg.gather [hbm4b:s4+s3], $0x80, v4, vm0, $0xb8;
	[tilespmem:$0x14100] =	vst v63  }
0x88: {  	_ = 	snop  }
0x89: {  	[tilespmem:s17], [sflag:$0x1] =	stream.indirect_vreg.gather [hbm4b:s2+s3], $0x80, v3, vm0, $0xb8;
	[tilespmem:$0x14100] =	vst v63  }
0x8a: {  	_ = 	snop  }
0x8b: {  	[tilespmem:s18], [sflag:$0x1] =	stream.indirect_vreg.gather [hbm4b:s4+s3], $0x80, v3, vm0, $0xb8;
	[tilespmem:$0x14100] =	vst v63  }
0x8c: {  	v3 =	vld [tilespmem:$0x70];
	_ =	sdelay $0x4  }
0x8d: {  	v61 =	vshll.u32 v3, $0x2  }
0x8e: {  	v3 =	vand.u32 $0x7, v3;
	v4 =	vand.u32 $0xFFFFFFE0, v61  }
0x8f: {  	v3 =	vor.u32 v3, v4  }
0x90: {  	v4 =	vperm.xlane v3, v0;
	_ =	sdelay $0x1  }
0x91: {  	v4 =	vadd.s32 v1, v4;
	_ =	sdelay $0x1  }
0x92: {  	v3 =	vperm.xlane v3, v2;
	_ =	sdelay $0x1  }
0x93: {  	v3 =	vadd.s32 v1, v3  }
0x94: {  	[tilespmem:s19], [sflag:$0x1] =	stream.indirect_vreg.gather [hbm4b:s2+s3], $0x80, v4, vm0, $0xb8;
	[tilespmem:$0x14100] =	vst v63  }
0x95: {  	_ = 	snop  }
0x96: {  	[tilespmem:s20], [sflag:$0x1] =	stream.indirect_vreg.gather [hbm4b:s4+s3], $0x80, v4, vm0, $0xb8;
	[tilespmem:$0x14100] =	vst v63  }
0x97: {  	_ = 	snop  }
0x98: {  	[tilespmem:s21], [sflag:$0x1] =	stream.indirect_vreg.gather [hbm4b:s2+s3], $0x80, v3, vm0, $0xb8;
	[tilespmem:$0x14100] =	vst v63  }
0x99: {  	_ = 	snop  }
0x9a: {  	[tilespmem:s22], [sflag:$0x1] =	stream.indirect_vreg.gather [hbm4b:s4+s3], $0x80, v3, vm0, $0xb8;
	[tilespmem:$0x14100] =	vst v63  }
0x9b: {  	v3 =	vld [tilespmem:$0x80];
	_ =	sdelay $0x4  }
0x9c: {  	v62 =	vshll.u32 v3, $0x2  }
0x9d: {  	v3 =	vand.u32 $0x7, v3;
	v4 =	vand.u32 $0xFFFFFFE0, v62  }
0x9e: {  	v3 =	vor.u32 v3, v4  }
0x9f: {  	v4 =	vperm.xlane v3, v0;
	_ =	sdelay $0x1  }
0xa0: {  	v4 =	vadd.s32 v1, v4;
	_ =	sdelay $0x1  }
0xa1: {  	v3 =	vperm.xlane v3, v2;
	_ =	sdelay $0x1  }
0xa2: {  	v3 =	vadd.s32 v1, v3  }
0xa3: {  	[tilespmem:s23], [sflag:$0x1] =	stream.indirect_vreg.gather [hbm4b:s2+s3], $0x80, v4, vm0, $0xb8;
	[tilespmem:$0x14100] =	vst v63  }
0xa4: {  	_ = 	snop  }
0xa5: {  	[tilespmem:s24], [sflag:$0x1] =	stream.indirect_vreg.gather [hbm4b:s4+s3], $0x80, v4, vm0, $0xb8;
	[tilespmem:$0x14100] =	vst v63  }
0xa6: {  	_ = 	snop  }
0xa7: {  	[tilespmem:s25], [sflag:$0x1] =	stream.indirect_vreg.gather [hbm4b:s2+s3], $0x80, v3, vm0, $0xb8;
	[tilespmem:$0x14100] =	vst v63  }
0xa8: {  	_ = 	snop  }
0xa9: {  	[tilespmem:s26], [sflag:$0x1] =	stream.indirect_vreg.gather [hbm4b:s4+s3], $0x80, v3, vm0, $0xb8;
	[tilespmem:$0x14100] =	vst v63  }
0xaa: {  	v3 =	vld [tilespmem:$0x90];
	_ =	sdelay $0x4  }
0xab: {  	v63 =	vshll.u32 v3, $0x2  }
0xac: {  	v3 =	vand.u32 $0x7, v3;
	v4 =	vand.u32 $0xFFFFFFE0, v63  }
0xad: {  	v3 =	vor.u32 v3, v4  }
0xae: {  	v4 =	vperm.xlane v3, v0;
	_ =	sdelay $0x1  }
0xaf: {  	v4 =	vadd.s32 v1, v4;
	_ =	sdelay $0x1  }
0xb0: {  	v3 =	vperm.xlane v3, v2;
	_ =	sdelay $0x1  }
0xb1: {  	v3 =	vadd.s32 v1, v3  }
0xb2: {  	[tilespmem:s28], [sflag:$0x1] =	stream.indirect_vreg.gather [hbm4b:s2+s3], $0x80, v4, vm0, $0xb8;
	[tilespmem:$0x14100] =	vst v63  }
0xb3: {  	_ = 	snop  }
0xb4: {  	[tilespmem:s29], [sflag:$0x1] =	stream.indirect_vreg.gather [hbm4b:s4+s3], $0x80, v4, vm0, $0xb8;
	[tilespmem:$0x14100] =	vst v63  }
0xb5: {  	_ = 	snop  }
0xb6: {  	[tilespmem:s30], [sflag:$0x1] =	stream.indirect_vreg.gather [hbm4b:s2+s3], $0x80, v3, vm0, $0xb8;
	[tilespmem:$0x14100] =	vst v63  }
0xb7: {  	_ = 	snop  }
0xb8: {  	[tilespmem:s31], [sflag:$0x1] =	stream.indirect_vreg.gather [hbm4b:s4+s3], $0x80, v3, vm0, $0xb8;
	[tilespmem:$0x14100] =	vst v63  }
0xb9: {  	_ =	swait.ge [sflag:s1], $0x14000  }
0xba: {  	p0 =	sne.s32 s5, $0x1;
	[sflag:s1] =	ssyncset.done $0x0  }
.Ltmp0:
0xbb: {  	s8 =	rddreg [dreg:$0x4];
	[sflag:s1] =	ssyncadd.s32 $0xFFFEC000;
	(pc) =	sbr.rel @p0 .LBB2_1-.Ltmp0, $4  }
0xbc: {  	[hbm4b:s8+s3] =	stream.linear.scatter [tilespmem:s7], [sflag:$0x2], $0x14000, $0x38;
	[tilespmem:$0x14100] =	vst v63  }
0xbd: {  	_ =	swait.ge [sflag:s6], $0x14000  }
0xbe: {  	[sflag:s6] =	ssyncset.done $0x0  }
0xbf: {  	s5 =	sadd.s32 $0xFFFFFFFF, s5;
	[sflag:s6] =	ssyncadd.s32 $0xFFFEC000  }
0xc0: {  	_ =	sfence.sel $0x180000  }
0xc1: {  	[bflag:$0x0] =	sbarrier.arrive $0xFFFF  }
0xc2: {  	_ =	strace $0x90000047  }
0xc3: {  	s0 =	stileid.u32;
	[bflag:$0x2] =	sbarrier.arrive $0xFFFF  }
0xc4: {  	p0 =	sne.s32 s0, $0x0;
	s0 =	rddreg [dreg:$0x2]  }
0xc5: {  	s0 =	sadd.s32 @!p0 $0x100000, s0  }
0xc6: {  	[sflag:s0] =	ssyncadd.tile.s32 @!p0 $0x1;
	_ =	shalt  }
.Lfunc_end2:
_tile_overlayer_lowered:
.L_overlay_start_2:
0xc7: {  	(tag) =	ssettag $0x2  }
0xc8: {  	s0 =	rddreg [dreg:$0x0];
	s2 =	stileid.u32  }
0xc9: {  	s1 =	rddreg [dreg:$0x1];
	p0 =	sne.s32 s2, $0x0  }
0xca: {  	s3 =	rddreg [dreg:$0x2];
	[bflag:$0x3] =	sbarrier.arrive $0xFFFF;
	s2 =	simm.s32 @!p0 $0x1C02  }
0xcb: {  	[timem:s3], [sflag:s2] =	dma.local @!p0 [hbm:s0], s1  }
0xcc: {  	s0 =	simm.s32 @!p0 $0x2  }
0xcd: {  	_ =	swait.ge @!p0 [sflag:s0], s1  }
0xce: {  	s1 =	ssub.s32 @!p0 $0x0, s1;
	[sflag:s0] =	ssyncset.done @!p0 $0x0  }
0xcf: {  	[sflag:s0] =	ssyncadd.s32 @!p0 s1  }
0xd0: {  	[bflag:$0x3] =	sbarrier.arrive $0xFFFF  }
0xd1: {  	_ =	shalt  }

</sc_bundles>
